<compile_context>
chip_gen: v7x
topology: tpu7x:2x2x1
jax: 0.10.2.dev20260603
libtpu: 0.0.44.dev20260713+nightly
codegen_flags: <defaults>
</compile_context>

<pallas_src>
import functools

import jax
import jax.numpy as jnp
from jax import lax
from jax.experimental import pallas as pl
from jax.experimental.pallas import tpu as pltpu
from jax.experimental.pallas import tpu_sc as plsc

N = 100000
D = 128
K = 50000

NWS = 16
CH = 6272
NP = NWS * CH
NVR = CH // 16
NVR_LAST = 370
VALID_LAST = 5920
RADIX = 2048
NHB = RADIX // 16
SHIFTS = (0, 11, 22)
C1 = (1 << 30) - 1
PADKEY = 0x7FFFFFFF
KOUT = 8 * CH

GW = 25
ROWS_W = 2000
GCH = 400
GNC = ROWS_W // GCH


def _digit_ranks(k16, shift, lane, t16a):
    d = (k16 >> shift) & (RADIX - 1)
    t16a[...] = d
    one = jnp.ones((16,), jnp.int32)
    zero = jnp.zeros((16,), jnp.int32)
    eq_before = zero
    eq_after = zero
    for k in range(1, 16):
        prevk = plsc.load_gather(t16a, [jnp.maximum(lane - k, 0)])
        eq_before = eq_before + jnp.where((lane >= k) & (prevk == d), one, zero)
        nxtk = plsc.load_gather(t16a, [jnp.minimum(lane + k, 15)])
        eq_after = eq_after + jnp.where((lane <= 15 - k) & (nxtk == d), one, zero)
    is_last = eq_after == 0
    return d, eq_before, is_last


def _sort_body(sig_hbm, keys_out, idx_out, pool_out,
               bufa_k, bufa_i, bufb_k, bufb_i, hist_sh, pool_sh,
               sig_v, keys_v, idx_v, pos_v, hist_v, base_v, histall_v,
               pool_v, t16a, t16b, t16c, t16f):
    cid = lax.axis_index("c")
    sid = lax.axis_index("s")
    lane = lax.iota(jnp.int32, 16)

    w = sid
    base_el = w * CH
    nvalid = jnp.where(w == NWS - 1, NVR_LAST, NVR)

    @pl.when(cid == 0)
    def _input_stage():
        @pl.when(w < NWS - 1)
        def _():
            pltpu.sync_copy(sig_hbm.at[pl.ds(base_el, CH)], sig_v)

        @pl.when(w == NWS - 1)
        def _():
            pltpu.sync_copy(sig_hbm.at[pl.ds(base_el, VALID_LAST)],
                            sig_v.at[pl.ds(0, VALID_LAST)])

        def in_body(j, acc):
            sg = sig_v[pl.ds(j * 16, 16)]
            bits = lax.bitcast_convert_type(sg, jnp.int32)
            keys_v[pl.ds(j * 16, 16)] = C1 - bits
            idx_v[pl.ds(j * 16, 16)] = base_el + j * 16 + lane
            return acc + (sg - sg * sg)

        acc = lax.fori_loop(0, nvalid, in_body,
                            jnp.zeros((16,), jnp.float32))

        @pl.when(w == NWS - 1)
        def _():
            def pad_body(j, _):
                keys_v[pl.ds(j * 16, 16)] = jnp.full((16,), PADKEY, jnp.int32)
                idx_v[pl.ds(j * 16, 16)] = base_el + j * 16 + lane
                return 0
            lax.fori_loop(NVR_LAST, NVR, pad_body, 0)

        pltpu.sync_copy(keys_v, bufa_k.at[pl.ds(base_el, CH)])
        pltpu.sync_copy(idx_v, bufa_i.at[pl.ds(base_el, CH)])
        t16f[...] = acc
        pltpu.sync_copy(t16f, pool_sh.at[pl.ds(w * 16, 16)])

    plsc.subcore_barrier()

    bufs = [(bufa_k, bufa_i, bufb_k, bufb_i),
            (bufb_k, bufb_i, bufa_k, bufa_i),
            (bufa_k, bufa_i, bufb_k, bufb_i)]
    for p, shift in enumerate(SHIFTS):
        bin_k, bin_i, bout_k, bout_i = bufs[p]

        @pl.when(cid == 0)
        def _phase_a(bin_k=bin_k, shift=shift):
            def zero_body(j, _):
                hist_v[pl.ds(j * 16, 16)] = jnp.zeros((16,), jnp.int32)
                return 0
            lax.fori_loop(0, NHB, zero_body, 0)
            pltpu.sync_copy(bin_k.at[pl.ds(base_el, CH)], keys_v)

            def hist_body(j, _):
                k16 = keys_v[pl.ds(j * 16, 16)]
                d, eqb, is_last = _digit_ranks(k16, shift, lane, t16a)
                plsc.addupdate_scatter(hist_v, [d], eqb + 1, mask=is_last)
                return 0
            lax.fori_loop(0, NVR, hist_body, 0)
            pltpu.sync_copy(hist_v, hist_sh.at[pl.ds(w * RADIX, RADIX)])

        plsc.subcore_barrier()

        @pl.when(cid == 0)
        def _phase_bc(bin_i=bin_i, bout_k=bout_k, bout_i=bout_i, shift=shift):
            pltpu.sync_copy(hist_sh, histall_v)

            def scan_body(j, carry):
                zero = jnp.zeros((16,), jnp.int32)
                tot = zero
                bef = zero
                for w2 in range(NWS):
                    h = histall_v[pl.ds(w2 * RADIX + j * 16, 16)]
                    tot = tot + h
                    bef = bef + jnp.where(
                        jnp.full((16,), w2, jnp.int32) < w, h, zero)
                cum = tot
                for st in (1, 2, 4, 8):
                    t16a[...] = cum
                    sh = plsc.load_gather(t16a, [jnp.maximum(lane - st, 0)])
                    cum = cum + jnp.where(lane >= st, sh, zero)
                t16a[...] = cum
                totall = plsc.load_gather(t16a, [jnp.full((16,), 15, jnp.int32)])
                base_v[pl.ds(j * 16, 16)] = cum - tot + carry + bef
                return carry + totall
            lax.fori_loop(0, NHB, scan_body, jnp.zeros((16,), jnp.int32))

            pltpu.sync_copy(bin_i.at[pl.ds(base_el, CH)], idx_v)

            def perm_body(j, _):
                k16 = keys_v[pl.ds(j * 16, 16)]
                d, eqb, is_last = _digit_ranks(k16, shift, lane, t16a)
                gb = plsc.load_gather(base_v, [d])
                plsc.addupdate_scatter(base_v, [d], eqb + 1, mask=is_last)
                pos_v[pl.ds(j * 16, 16)] = gb + eqb
                return 0
            lax.fori_loop(0, NVR, perm_body, 0)

            def clamp_body(j, _):
                pv = pos_v[pl.ds(j * 16, 16)]
                pos_v[pl.ds(j * 16, 16)] = jnp.clip(pv, 0, NP - 1)
                return 0
            lax.fori_loop(0, NVR, clamp_body, 0)
            pltpu.sync_copy(keys_v, bout_k.at[pos_v])
            pltpu.sync_copy(idx_v, bout_i.at[pos_v])

        plsc.subcore_barrier()

    @pl.when((cid == 0) & (w < KOUT // CH))
    def _export():
        pltpu.sync_copy(bufb_k.at[pl.ds(base_el, CH)], keys_v)
        pltpu.sync_copy(keys_v, keys_out.at[pl.ds(base_el, CH)])
        pltpu.sync_copy(bufb_i.at[pl.ds(base_el, CH)], idx_v)
        pltpu.sync_copy(idx_v, idx_out.at[pl.ds(base_el, CH)])

    @pl.when((cid == 0) & (w == 0))
    def _pool():
        pltpu.sync_copy(pool_sh, pool_v)
        acc2 = jnp.zeros((16,), jnp.float32)
        for w2 in range(NWS):
            acc2 = acc2 + pool_v[pl.ds(w2 * 16, 16)]
        for st in (1, 2, 4, 8):
            t16f[...] = acc2
            acc2 = acc2 + plsc.load_gather(
                t16f, [jnp.bitwise_xor(lane, st)])
        t16f[...] = acc2 * jnp.float32(1.0 / N)
        pltpu.sync_copy(t16f, pool_out)


def _gather_body(idx_hbm, keys_hbm, x_hbm, out_hbm,
                 idx_v, keys_v, rows_v, sem):
    cid = lax.axis_index("c")
    sid = lax.axis_index("s")
    wid = sid * 2 + cid

    @pl.when(wid < GW)
    def _():
        def chunk_body(ci, _):
            base = wid * ROWS_W + ci * GCH
            pltpu.sync_copy(idx_hbm.at[pl.ds(base, GCH)], idx_v)
            pltpu.sync_copy(keys_hbm.at[pl.ds(base, GCH)], keys_v)

            def clamp_body(j, _):
                iv = idx_v[pl.ds(j * 16, 16)]
                idx_v[pl.ds(j * 16, 16)] = jnp.clip(iv, 0, N - 1)
                return 0
            lax.fori_loop(0, GCH // 16, clamp_body, 0)
            pltpu.async_copy(x_hbm.at[idx_v], rows_v, sem).wait()

            def row_body(r, _):
                kb = plsc.load_gather(keys_v, [jnp.full((16,), r, jnp.int32)])
                sigv = lax.bitcast_convert_type(C1 - kb, jnp.float32)
                for h in range(D // 16):
                    rows_v[r, pl.ds(h * 16, 16)] = (
                        rows_v[r, pl.ds(h * 16, 16)] * sigv)
                return 0
            lax.fori_loop(0, GCH, row_body, 0)
            pltpu.sync_copy(rows_v, out_hbm.at[pl.ds(base, GCH)])
            return 0
        lax.fori_loop(0, GNC, chunk_body, 0)


_sort_call = functools.partial(
    pl.kernel,
    out_type=(
        jax.ShapeDtypeStruct((KOUT,), jnp.int32),
        jax.ShapeDtypeStruct((KOUT,), jnp.int32),
        jax.ShapeDtypeStruct((16,), jnp.float32),
    ),
    mesh=plsc.VectorSubcoreMesh(core_axis_name="c", subcore_axis_name="s"),
    compiler_params=pltpu.CompilerParams(needs_layout_passes=False),
    scratch_types=[
        pltpu.VMEM_SHARED((NP,), jnp.int32),
        pltpu.VMEM_SHARED((NP,), jnp.int32),
        pltpu.VMEM_SHARED((NP,), jnp.int32),
        pltpu.VMEM_SHARED((NP,), jnp.int32),
        pltpu.VMEM_SHARED((NWS * RADIX,), jnp.int32),
        pltpu.VMEM_SHARED((NWS * 16,), jnp.float32),
        pltpu.VMEM((CH,), jnp.float32),
        pltpu.VMEM((CH,), jnp.int32),
        pltpu.VMEM((CH,), jnp.int32),
        pltpu.VMEM((CH,), jnp.int32),
        pltpu.VMEM((RADIX,), jnp.int32),
        pltpu.VMEM((RADIX,), jnp.int32),
        pltpu.VMEM((NWS * RADIX,), jnp.int32),
        pltpu.VMEM((NWS * 16,), jnp.float32),
        pltpu.VMEM((16,), jnp.int32),
        pltpu.VMEM((16,), jnp.int32),
        pltpu.VMEM((16,), jnp.int32),
        pltpu.VMEM((16,), jnp.float32),
    ],
)(_sort_body)

_gather_call = functools.partial(
    pl.kernel,
    out_type=jax.ShapeDtypeStruct((K, D), jnp.float32),
    mesh=plsc.VectorSubcoreMesh(core_axis_name="c", subcore_axis_name="s"),
    compiler_params=pltpu.CompilerParams(needs_layout_passes=False),
    scratch_types=[
        pltpu.VMEM((GCH,), jnp.int32),
        pltpu.VMEM((GCH,), jnp.int32),
        pltpu.VMEM((GCH, D), jnp.float32),
        pltpu.SemaphoreType.DMA,
    ],
)(_gather_body)


def kernel(lw_matrix_hidden_state_last, trainable_vector_pooling):
    x = lw_matrix_hidden_state_last
    v = trainable_vector_pooling
    norm2 = jnp.linalg.norm(v)
    scores = x @ (v / (norm2 + 1e-08))
    scores = (scores - scores.mean()) / (scores.std() + 1e-08)
    sig = jax.nn.sigmoid(scores)
    sigf = jnp.squeeze(sig, -1)
    sv, indices = jax.lax.top_k(sigf, K)
    pad = jnp.zeros((KOUT - K,), jnp.int32)
    idx_s = jnp.concatenate([indices.astype(jnp.int32), pad])
    keys_s = jnp.concatenate(
        [C1 - lax.bitcast_convert_type(sv, jnp.int32), pad])
    new_x = _gather_call(idx_s, keys_s, x)
    pool_loss = (sig * (1 - sig)).mean()
    return (new_x, pool_loss)

# --- scband reference (transcript-rebuilt; emitter-appended) ---
"""Pipeline reference for scband-dgpool-35527969472862 (READ-ONLY COPY).

The authoritative reference and input builder live on the scoring server;
editing this copy changes nothing except your own understanding.
"""

import jax, jax.numpy as jnp
import numpy as np

POOL_RATIO = 0.5
INPUT_DIM = 128
N_NODES = 100000

def setup_inputs(seed: int = 0) -> dict:
    key = jax.random.key(seed)
    k1, k2 = jax.random.split(key)
    x = jax.random.normal(k1, (N_NODES, INPUT_DIM), dtype=jnp.float32)
    v = jax.random.normal(k2, (INPUT_DIM, 1), dtype=jnp.float32)
    return {"lw_matrix_hidden_state_last": x, "trainable_vector_pooling": v}

def reference(lw_matrix_hidden_state_last, trainable_vector_pooling):
    x = lw_matrix_hidden_state_last
    v = trainable_vector_pooling
    num_nodes = x.shape[0]
    k = max(1, int(num_nodes * POOL_RATIO))
    norm2 = jnp.linalg.norm(v)
    scores = x @ (v / (norm2 + 1e-08))
    scores = (scores - scores.mean()) / (scores.std() + 1e-08)
    sig_scores = jax.nn.sigmoid(scores)
    x_scaled = x * sig_scores
    _, indices = jax.lax.top_k(jnp.squeeze(sig_scores), k)
    new_x = x_scaled[indices]
    pool_loss = (sig_scores * (1 - sig_scores)).mean()
    return (new_x, pool_loss)

if __name__ == "__main__":
    import jax
    _d = setup_inputs()
    print(jax.jit(kernel)(*tuple(_d.values())))

</pallas_src>

<mosaic_0001>
#map = affine_map<(d0, d1) -> (0)>
#map1 = affine_map<(d0, d1) -> (0, 0)>
module attributes {stable_mosaic.version = 14 : i64} {
  func.func @_gather_body(%arg0: i32, %arg1: i32, %arg2: memref<50176xi32, #tpu.memory_space<hbm>>, %arg3: memref<50176xi32, #tpu.memory_space<hbm>>, %arg4: memref<100000x128xf32, #tpu.memory_space<hbm>>, %arg5: memref<50000x128xf32, #tpu.memory_space<hbm>>, %arg6: memref<400xi32, #tpu.memory_space<vmem>>, %arg7: memref<400xi32, #tpu.memory_space<vmem>>, %arg8: memref<400x128xf32, #tpu.memory_space<vmem>>, %arg9: memref<!tpu.dma_semaphore, #tpu.memory_space<semaphore_mem>>) attributes {dimension_semantics = [#tpu.dimension_semantics<core_parallel>, #tpu.dimension_semantics<subcore_parallel>], iteration_bounds = array<i64: 2, 16>, scalar_prefetch = 0 : i64, scratch_operands = 4 : i64, tpu.core_type = #tpu.core_type<sc_vector_subcore>, window_params = [{transform_indices = #map}, {transform_indices = #map}, {transform_indices = #map1}, {transform_indices = #map1}]} {
    %mul3A = arith.constant 2 : i32
    %mul3A_0 = arith.muli %arg1, %mul3A : i32
    %add3A = arith.addi %mul3A_0, %arg0 : i32
    %lt3A = arith.constant 25 : i32
    %lt3A_1 = arith.cmpi slt, %add3A, %lt3A : i32
    %convert_element_type3A = arith.extui %lt3A_1 : i1 to i32
    %cond3A = arith.constant 0 : i32
    %cond3A_2 = arith.cmpi ne, %convert_element_type3A, %cond3A : i32
    scf.if %cond3A_2 {
      %scan3A = arith.constant 0 : i32
      %scan3A_3 = arith.constant 0 : i32
      %scan3A_4 = arith.constant 5 : i32
      %scan3A_5 = arith.addi %scan3A_3, %scan3A_4 : i32
      %scan3A_6 = arith.constant 1 : i32
      %scan3A_7 = scf.for %scan3A_9 = %scan3A_3 to %scan3A_5 step %scan3A_6 iter_args(%scan3A_10 = %scan3A) -> (i32)  : i32 {
        %mul3A_11 = arith.constant 2000 : i32
        %mul3A_12 = arith.muli %add3A, %mul3A_11 : i32
        %mul3A_13 = arith.constant 400 : i32
        %mul3A_14 = arith.muli %scan3A_9, %mul3A_13 : i32
        %add3A_15 = arith.addi %mul3A_12, %mul3A_14 : i32
        "tpu.region"() ({
          %run_scoped3A = tpu.sem_alloc : memref<!tpu.dma_semaphore, #tpu.memory_space<semaphore_mem>>
          %dma_start3A_35 = tpu.memref_slice %arg2[%add3A_15] : memref<50176xi32, #tpu.memory_space<hbm>> -> memref<400xi32, #tpu.memory_space<hbm>>
          %dma_start3A_36 = tpu.memref_slice %arg2[%add3A_15] : memref<50176xi32, #tpu.memory_space<hbm>> -> memref<400xi32, #tpu.memory_space<hbm>>
          tpu.enqueue_dma source(%dma_start3A_36 : memref<400xi32, #tpu.memory_space<hbm>>) target(%arg6 : memref<400xi32, #tpu.memory_space<vmem>>) target_semaphore(%run_scoped3A : memref<!tpu.dma_semaphore, #tpu.memory_space<semaphore_mem>>)
          %dma_wait3A_37 = tpu.memref_slice %arg2[%add3A_15] : memref<50176xi32, #tpu.memory_space<hbm>> -> memref<400xi32, #tpu.memory_space<hbm>>
          %dma_wait3A_38 = tpu.memref_slice %arg2[%add3A_15] : memref<50176xi32, #tpu.memory_space<hbm>> -> memref<400xi32, #tpu.memory_space<hbm>>
          tpu.wait_dma2 semaphore(%run_scoped3A : memref<!tpu.dma_semaphore, #tpu.memory_space<semaphore_mem>>) src(%dma_wait3A_38 : memref<400xi32, #tpu.memory_space<hbm>>) dst(%arg6 : memref<400xi32, #tpu.memory_space<vmem>>)
          tpu.yield
        }) : () -> ()
        "tpu.region"() ({
          %run_scoped3A = tpu.sem_alloc : memref<!tpu.dma_semaphore, #tpu.memory_space<semaphore_mem>>
          %dma_start3A_35 = tpu.memref_slice %arg3[%add3A_15] : memref<50176xi32, #tpu.memory_space<hbm>> -> memref<400xi32, #tpu.memory_space<hbm>>
          %dma_start3A_36 = tpu.memref_slice %arg3[%add3A_15] : memref<50176xi32, #tpu.memory_space<hbm>> -> memref<400xi32, #tpu.memory_space<hbm>>
          tpu.enqueue_dma source(%dma_start3A_36 : memref<400xi32, #tpu.memory_space<hbm>>) target(%arg7 : memref<400xi32, #tpu.memory_space<vmem>>) target_semaphore(%run_scoped3A : memref<!tpu.dma_semaphore, #tpu.memory_space<semaphore_mem>>)
          %dma_wait3A_37 = tpu.memref_slice %arg3[%add3A_15] : memref<50176xi32, #tpu.memory_space<hbm>> -> memref<400xi32, #tpu.memory_space<hbm>>
          %dma_wait3A_38 = tpu.memref_slice %arg3[%add3A_15] : memref<50176xi32, #tpu.memory_space<hbm>> -> memref<400xi32, #tpu.memory_space<hbm>>
          tpu.wait_dma2 semaphore(%run_scoped3A : memref<!tpu.dma_semaphore, #tpu.memory_space<semaphore_mem>>) src(%dma_wait3A_38 : memref<400xi32, #tpu.memory_space<hbm>>) dst(%arg7 : memref<400xi32, #tpu.memory_space<vmem>>)
          tpu.yield
        }) : () -> ()
        %scan3A_16 = arith.constant 0 : i32
        %scan3A_17 = arith.constant 0 : i32
        %scan3A_18 = arith.constant 25 : i32
        %scan3A_19 = arith.addi %scan3A_17, %scan3A_18 : i32
        %scan3A_20 = arith.constant 1 : i32
        %scan3A_21 = scf.for %scan3A_35 = %scan3A_17 to %scan3A_19 step %scan3A_20 iter_args(%scan3A_36 = %scan3A_16) -> (i32)  : i32 {
          %mul3A_37 = arith.constant 16 : i32
          %mul3A_38 = arith.muli %scan3A_35, %mul3A_37 : i32
          %get3A = arith.index_cast %mul3A_38 : i32 to index
          %get3A_39 = tpu.vector_load %arg6[%get3A] {strides = array<i32>} : memref<400xi32, #tpu.memory_space<vmem>>, vector<16xi32>,
          %jit3A = arith.constant 0 : i32
          %jit3A_40 = arith.constant 99999 : i32
          %max3A = vector.broadcast %jit3A : i32 to vector<16xi32>
          %max3A_41 = arith.maxsi %max3A, %get3A_39 : vector<16xi32>
          %min3A = vector.broadcast %jit3A_40 : i32 to vector<16xi32>
          %min3A_42 = arith.minsi %min3A, %max3A_41 : vector<16xi32>
          %mul3A_43 = arith.constant 16 : i32
          %mul3A_44 = arith.muli %scan3A_35, %mul3A_43 : i32
          %swap3A = arith.index_cast %mul3A_44 : i32 to index
          %swap3A_45 = tpu.vector_load %arg6[%swap3A] {strides = array<i32>} : memref<400xi32, #tpu.memory_space<vmem>>, vector<16xi32>,
          tpu.vector_store %arg6[%swap3A], %min3A_42 {strides = array<i32>} : memref<400xi32, #tpu.memory_space<vmem>>, vector<16xi32>,
          %scan3A_46 = arith.constant 0 : i32
          scf.yield %scan3A_46 : i32
        }
        %scan3A_22 = arith.constant 25 : i32
        %dma_start3A = arith.constant 0 : i32
        %dma_start3A_23 = arith.constant 0 : i32
        %dma_start3A_24 = tpu.memref_slice %arg4[%dma_start3A, %dma_start3A_23] : memref<100000x128xf32, #tpu.memory_space<hbm>> -> memref<100000x128xf32, #tpu.memory_space<hbm>>
        tpu.enqueue_indirect_dma source(%dma_start3A_24 : memref<100000x128xf32, #tpu.memory_space<hbm>>) target(%arg8 : memref<400x128xf32, #tpu.memory_space<vmem>>) offsets(%arg6 : memref<400xi32, #tpu.memory_space<vmem>>) semaphore(%arg9 : memref<!tpu.dma_semaphore, #tpu.memory_space<semaphore_mem>>)
        %dma_wait3A = arith.constant 0 : i32
        %dma_wait3A_25 = arith.constant 0 : i32
        %dma_wait3A_26 = tpu.memref_slice %arg4[%dma_wait3A, %dma_wait3A_25] : memref<100000x128xf32, #tpu.memory_space<hbm>> -> memref<100000x128xf32, #tpu.memory_space<hbm>>
        tpu.wait_indirect_dma semaphore(%arg9 : memref<!tpu.dma_semaphore, #tpu.memory_space<semaphore_mem>>) src(%dma_wait3A_26 : memref<100000x128xf32, #tpu.memory_space<hbm>>) dst(%arg8 : memref<400x128xf32, #tpu.memory_space<vmem>>)
        %scan3A_27 = arith.constant 0 : i32
        %scan3A_28 = arith.constant 0 : i32
        %scan3A_29 = arith.constant 400 : i32
        %scan3A_30 = arith.addi %scan3A_28, %scan3A_29 : i32
        %scan3A_31 = arith.constant 1 : i32
        %scan3A_32 = scf.for %scan3A_35 = %scan3A_28 to %scan3A_30 step %scan3A_31 iter_args(%scan3A_36 = %scan3A_27) -> (i32)  : i32 {
          %broadcast_in_dim3A = vector.broadcast %scan3A_35 : i32 to vector<16xi32>
          %gather3A = tpu.vector_load_idx %arg7[%broadcast_in_dim3A] : memref<400xi32, #tpu.memory_space<vmem>>[vector<16xi32>], vector<16xi32>,
          %sub3A = arith.constant 1073741823 : i32
          %sub3A_37 = vector.broadcast %sub3A : i32 to vector<16xi32>
          %sub3A_38 = arith.subi %sub3A_37, %gather3A : vector<16xi32>
          %bitcast_convert_type3A = tpu.bitcast %sub3A_38 : vector<16xi32> -> vector<16xf32>
          %get3A = arith.index_cast %scan3A_35 : i32 to index
          %get3A_39 = arith.constant 0 : index
          %get3A_40 = tpu.vector_load %arg8[%get3A, %get3A_39] {strides = array<i32>} : memref<400x128xf32, #tpu.memory_space<vmem>>, vector<16xf32>,
          %mul3A_41 = arith.mulf %get3A_40, %bitcast_convert_type3A : vector<16xf32>
          %swap3A = arith.index_cast %scan3A_35 : i32 to index
          %swap3A_42 = arith.constant 0 : index
          %swap3A_43 = tpu.vector_load %arg8[%swap3A, %swap3A_42] {strides = array<i32>} : memref<400x128xf32, #tpu.memory_space<vmem>>, vector<16xf32>,
          tpu.vector_store %arg8[%swap3A, %swap3A_42], %mul3A_41 {strides = array<i32>} : memref<400x128xf32, #tpu.memory_space<vmem>>, vector<16xf32>,
          %get3A_44 = arith.index_cast %scan3A_35 : i32 to index
          %get3A_45 = arith.constant 16 : index
          %get3A_46 = tpu.vector_load %arg8[%get3A_44, %get3A_45] {strides = array<i32>} : memref<400x128xf32, #tpu.memory_space<vmem>>, vector<16xf32>,
          %mul3A_47 = arith.mulf %get3A_46, %bitcast_convert_type3A : vector<16xf32>
          %swap3A_48 = arith.index_cast %scan3A_35 : i32 to index
          %swap3A_49 = arith.constant 16 : index
          %swap3A_50 = tpu.vector_load %arg8[%swap3A_48, %swap3A_49] {strides = array<i32>} : memref<400x128xf32, #tpu.memory_space<vmem>>, vector<16xf32>,
          tpu.vector_store %arg8[%swap3A_48, %swap3A_49], %mul3A_47 {strides = array<i32>} : memref<400x128xf32, #tpu.memory_space<vmem>>, vector<16xf32>,
          %get3A_51 = arith.index_cast %scan3A_35 : i32 to index
          %get3A_52 = arith.constant 32 : index
          %get3A_53 = tpu.vector_load %arg8[%get3A_51, %get3A_52] {strides = array<i32>} : memref<400x128xf32, #tpu.memory_space<vmem>>, vector<16xf32>,
          %mul3A_54 = arith.mulf %get3A_53, %bitcast_convert_type3A : vector<16xf32>
          %swap3A_55 = arith.index_cast %scan3A_35 : i32 to index
          %swap3A_56 = arith.constant 32 : index
          %swap3A_57 = tpu.vector_load %arg8[%swap3A_55, %swap3A_56] {strides = array<i32>} : memref<400x128xf32, #tpu.memory_space<vmem>>, vector<16xf32>,
          tpu.vector_store %arg8[%swap3A_55, %swap3A_56], %mul3A_54 {strides = array<i32>} : memref<400x128xf32, #tpu.memory_space<vmem>>, vector<16xf32>,
          %get3A_58 = arith.index_cast %scan3A_35 : i32 to index
          %get3A_59 = arith.constant 48 : index
          %get3A_60 = tpu.vector_load %arg8[%get3A_58, %get3A_59] {strides = array<i32>} : memref<400x128xf32, #tpu.memory_space<vmem>>, vector<16xf32>,
          %mul3A_61 = arith.mulf %get3A_60, %bitcast_convert_type3A : vector<16xf32>
          %swap3A_62 = arith.index_cast %scan3A_35 : i32 to index
          %swap3A_63 = arith.constant 48 : index
          %swap3A_64 = tpu.vector_load %arg8[%swap3A_62, %swap3A_63] {strides = array<i32>} : memref<400x128xf32, #tpu.memory_space<vmem>>, vector<16xf32>,
          tpu.vector_store %arg8[%swap3A_62, %swap3A_63], %mul3A_61 {strides = array<i32>} : memref<400x128xf32, #tpu.memory_space<vmem>>, vector<16xf32>,
          %get3A_65 = arith.index_cast %scan3A_35 : i32 to index
          %get3A_66 = arith.constant 64 : index
          %get3A_67 = tpu.vector_load %arg8[%get3A_65, %get3A_66] {strides = array<i32>} : memref<400x128xf32, #tpu.memory_space<vmem>>, vector<16xf32>,
          %mul3A_68 = arith.mulf %get3A_67, %bitcast_convert_type3A : vector<16xf32>
          %swap3A_69 = arith.index_cast %scan3A_35 : i32 to index
          %swap3A_70 = arith.constant 64 : index
          %swap3A_71 = tpu.vector_load %arg8[%swap3A_69, %swap3A_70] {strides = array<i32>} : memref<400x128xf32, #tpu.memory_space<vmem>>, vector<16xf32>,
          tpu.vector_store %arg8[%swap3A_69, %swap3A_70], %mul3A_68 {strides = array<i32>} : memref<400x128xf32, #tpu.memory_space<vmem>>, vector<16xf32>,
          %get3A_72 = arith.index_cast %scan3A_35 : i32 to index
          %get3A_73 = arith.constant 80 : index
          %get3A_74 = tpu.vector_load %arg8[%get3A_72, %get3A_73] {strides = array<i32>} : memref<400x128xf32, #tpu.memory_space<vmem>>, vector<16xf32>,
          %mul3A_75 = arith.mulf %get3A_74, %bitcast_convert_type3A : vector<16xf32>
          %swap3A_76 = arith.index_cast %scan3A_35 : i32 to index
          %swap3A_77 = arith.constant 80 : index
          %swap3A_78 = tpu.vector_load %arg8[%swap3A_76, %swap3A_77] {strides = array<i32>} : memref<400x128xf32, #tpu.memory_space<vmem>>, vector<16xf32>,
          tpu.vector_store %arg8[%swap3A_76, %swap3A_77], %mul3A_75 {strides = array<i32>} : memref<400x128xf32, #tpu.memory_space<vmem>>, vector<16xf32>,
          %get3A_79 = arith.index_cast %scan3A_35 : i32 to index
          %get3A_80 = arith.constant 96 : index
          %get3A_81 = tpu.vector_load %arg8[%get3A_79, %get3A_80] {strides = array<i32>} : memref<400x128xf32, #tpu.memory_space<vmem>>, vector<16xf32>,
          %mul3A_82 = arith.mulf %get3A_81, %bitcast_convert_type3A : vector<16xf32>
          %swap3A_83 = arith.index_cast %scan3A_35 : i32 to index
          %swap3A_84 = arith.constant 96 : index
          %swap3A_85 = tpu.vector_load %arg8[%swap3A_83, %swap3A_84] {strides = array<i32>} : memref<400x128xf32, #tpu.memory_space<vmem>>, vector<16xf32>,
          tpu.vector_store %arg8[%swap3A_83, %swap3A_84], %mul3A_82 {strides = array<i32>} : memref<400x128xf32, #tpu.memory_space<vmem>>, vector<16xf32>,
          %get3A_86 = arith.index_cast %scan3A_35 : i32 to index
          %get3A_87 = arith.constant 112 : index
          %get3A_88 = tpu.vector_load %arg8[%get3A_86, %get3A_87] {strides = array<i32>} : memref<400x128xf32, #tpu.memory_space<vmem>>, vector<16xf32>,
          %mul3A_89 = arith.mulf %get3A_88, %bitcast_convert_type3A : vector<16xf32>
          %swap3A_90 = arith.index_cast %scan3A_35 : i32 to index
          %swap3A_91 = arith.constant 112 : index
          %swap3A_92 = tpu.vector_load %arg8[%swap3A_90, %swap3A_91] {strides = array<i32>} : memref<400x128xf32, #tpu.memory_space<vmem>>, vector<16xf32>,
          tpu.vector_store %arg8[%swap3A_90, %swap3A_91], %mul3A_89 {strides = array<i32>} : memref<400x128xf32, #tpu.memory_space<vmem>>, vector<16xf32>,
          %scan3A_93 = arith.constant 0 : i32
          scf.yield %scan3A_93 : i32
        }
        %scan3A_33 = arith.constant 400 : i32
        "tpu.region"() ({
          %run_scoped3A = tpu.sem_alloc : memref<!tpu.dma_semaphore, #tpu.memory_space<semaphore_mem>>
          %dma_start3A_35 = arith.constant 0 : i32
          %dma_start3A_36 = tpu.memref_slice %arg5[%add3A_15, %dma_start3A_35] : memref<50000x128xf32, #tpu.memory_space<hbm>> -> memref<400x128xf32, #tpu.memory_space<hbm>>
          %dma_start3A_37 = arith.constant 0 : i32
          %dma_start3A_38 = tpu.memref_slice %arg5[%add3A_15, %dma_start3A_37] : memref<50000x128xf32, #tpu.memory_space<hbm>> -> memref<400x128xf32, #tpu.memory_space<hbm>>
          tpu.enqueue_dma source(%arg8 : memref<400x128xf32, #tpu.memory_space<vmem>>) target(%dma_start3A_38 : memref<400x128xf32, #tpu.memory_space<hbm>>) target_semaphore(%run_scoped3A : memref<!tpu.dma_semaphore, #tpu.memory_space<semaphore_mem>>)
          %dma_wait3A_39 = arith.constant 0 : i32
          %dma_wait3A_40 = tpu.memref_slice %arg5[%add3A_15, %dma_wait3A_39] : memref<50000x128xf32, #tpu.memory_space<hbm>> -> memref<400x128xf32, #tpu.memory_space<hbm>>
          %dma_wait3A_41 = arith.constant 0 : i32
          %dma_wait3A_42 = tpu.memref_slice %arg5[%add3A_15, %dma_wait3A_41] : memref<50000x128xf32, #tpu.memory_space<hbm>> -> memref<400x128xf32, #tpu.memory_space<hbm>>
          tpu.wait_dma2 semaphore(%run_scoped3A : memref<!tpu.dma_semaphore, #tpu.memory_space<semaphore_mem>>) src(%arg8 : memref<400x128xf32, #tpu.memory_space<vmem>>) dst(%dma_wait3A_42 : memref<400x128xf32, #tpu.memory_space<hbm>>)
          tpu.yield
        }) : () -> ()
        %scan3A_34 = arith.constant 0 : i32
        scf.yield %scan3A_34 : i32
      }
      %scan3A_8 = arith.constant 5 : i32
    } else {
    }
    return
  }
}

</mosaic_0001>

<sc_bundles>
// kernel: kernel.3.cloned.1.call-start
scs
__scs_entry_jumppad:
0x0: {  	(pc) =	sbr.rel $0x88, $3  }
0x1: {  	(tag) =	ssettag $0x0;
	lr =	simm.s32 $0x1  }
0x2: {  	[smem:$0x3F9F] =	sst lr;
	_ =	strace $0xD0000000  }
0x3: {  	_ = 	snop  }
0x4: {  	_ = 	snop  }
0x5: {  	_ = 	snop  }
0x6: {  	_ = 	snop  }
0x7: {  	_ = 	snop  }
__scs_overlays_trampoline_lowered:
0x8: {  	[smem:$0x3FAE] =	sst s0  }
0x9: {  	[smem:$0x3FAF] =	sst s1  }
0xa: {  	[smem:$0x3FB0] =	sst s2  }
0xb: {  	[smem:$0x3FB1] =	sst s3  }
0xc: {  	[smem:$0x3FB2] =	sst s4  }
0xd: {  	[smem:$0x3FB3] =	sst s5  }
0xe: {  	[smem:$0x3FB4] =	sst s6  }
0xf: {  	[smem:$0x3FB5] =	sst s7  }
0x10: {  	[smem:$0x3FB6] =	sst s8  }
0x11: {  	[smem:$0x3FB7] =	sst s9;
	s0 =	simm.s32 @!p0 $0x0  }
0x12: {  	s1 =	sld [smem:$0x3F9D];
	s0 =	simm.s32 @p0 $0x1  }
0x13: {  	[smem:$0x3FB8] =	sst s0;
	s0 =	simm.s32 @!p1 $0x0  }
0x14: {  	s2 =	sld [smem:$0x3F9C];
	s0 =	simm.s32 @p1 $0x1  }
0x15: {  	[smem:$0x3FB9] =	sst s0;
	s0 =	simm.s32 @!p2 $0x0  }
0x16: {  	s3 =	sld [smem:$0x3FDB];
	s0 =	simm.s32 @p2 $0x1  }
0x17: {  	s4 =	simm.s32 $0x1BF5;
	[smem:$0x3FBB] =	sst s0  }
0x18: {  	s0 =	sld [smem:$0x3F9E];
	_ =	swait.ge [sflag:s4], $0x0  }
0x19: {  	s7 =	sld [smem:$0x3F9F]  }
0x1a: {  	s8 =	sadd.s32 $0xFFFFE003, lr  }
0x1b: {  	s9 =	sadd.s32 $0xFFFFFEF7, lr;
	s5 =	simm.s32 $0xFFFFFFFF;
	p2 =	slt.u32 s8, $0xFFFFF086  }
0x1c: {  	p1 =	slt.u32 s9, $0xF7A;
	s5 =	simm.s32 @!p2 $0x0  }
0x1d: {  	s5 =	simm.s32 @p1 $0x1;
	p0 =	seq.s32 s7, s2  }
0x1e: {  	s7 =	smul.u32 @!p0 $0xF7A, s2;
	p2 =	seq.s32 @!p0 s5, $0x0  }
0x1f: {  	s9 =	smul.u32 $0xF7A, s1;
	s8 =	simm.s32 @!p0 $0x1BF5;
	p2 =	por !p2, p0  }
0x20: {  	[sflag:s8] =	ssyncset.s32 @!p0 $0xFFFFF086;
	s6 =	sadd.s32 @!p0 s3, s7;
	s7 =	simm.s32 @!p0 $0x108  }
0x21: {  	s3 =	sadd.s32 s3, s9;
	s6 =	sadd.s32 @!p0 $0x88, s6;
	s7 =	simm.s32 @p2 $0x1082  }
0x22: {  	[simem:s7], [sflag:s8] =	dma.local @!p0 [hbm:s6], $0xF7A  }
0x23: {  	s9 =	sor.u32 $0xD0000000, s2;
	s6 =	simm.s32 $0x108;
	_ =	swait.ge @!p0 [sflag:s8], $0x0  }
0x24: {  	s3 =	sadd.s32 $0x88, s3;
	s6 =	simm.s32 @!p1 $0x1082;
	[sflag:s4] =	ssyncset.s32 $0xFFFFF086  }
0x25: {  	[simem:s6], [sflag:s4] =	dma.local [hbm:s3], $0xF7A  }
0x26: {  	[smem:$0x3F9F] =	sst s1;
	(tag) =	ssettag s2;
	_ =	strace s9  }
0x27: {  	s1 =	sld [smem:$0x3FAF]  }
0x28: {  	s2 =	sld [smem:$0x3FB0]  }
0x29: {  	s4 =	sld [smem:$0x3FB2]  }
0x2a: {  	p0 =	seq.s32 s5, $0x0;
	s5 =	sld [smem:$0x3FB3]  }
0x2b: {  	s6 =	sld [smem:$0x3FB4]  }
0x2c: {  	s7 =	sld [smem:$0x3FB5]  }
0x2d: {  	s3 =	simm.s32 $0x108;
	s8 =	sld [smem:$0x3FB6]  }
0x2e: {  	s3 =	simm.s32 @!p0 $0x1082;
	s9 =	sld [smem:$0x3FB7]  }
0x2f: {  	lr =	sadd.s32 s0, s3;
	s0 =	sld [smem:$0x3FAE]  }
0x30: {  	s3 =	sld [smem:$0x3FB1]  }
0x31: {  	[smem:$0x3FBA] =	sst s10  }
0x32: {  	s10 =	sld [smem:$0x3FB8];
	_ =	sdelay $0x3  }
0x33: {  	p0 =	seq.s32 s10, $0x1;
	s10 =	sld [smem:$0x3FBA];
	_ =	sdelay $0x3  }
0x34: {  	[smem:$0x3FBA] =	sst s10  }
0x35: {  	s10 =	sld [smem:$0x3FB9];
	_ =	sdelay $0x3  }
0x36: {  	p1 =	seq.s32 s10, $0x1;
	s10 =	sld [smem:$0x3FBA];
	_ =	sdelay $0x3  }
0x37: {  	[smem:$0x3FBA] =	sst s10  }
0x38: {  	s10 =	sld [smem:$0x3FBB]  }
0x39: {  	_ = 	snop;
	(pc) =	sbr.ind lr, $3  }
0x3a: {  	_ = 	snop  }
0x3b: {  	_ = 	snop  }
0x3c: {  	p2 =	seq.s32 s10, $0x1;
	s10 =	sld [smem:$0x3FBA]  }
0x3d: {  	_ =	shalt  }
0x3e: {  	_ =	shalt  }
0x3f: {  	_ =	shalt  }
0x40: {  	_ =	shalt  }
0x41: {  	_ =	shalt  }
0x42: {  	_ =	shalt  }
0x43: {  	_ =	shalt  }
0x44: {  	_ =	shalt  }
0x45: {  	_ =	shalt  }
0x46: {  	_ =	shalt  }
0x47: {  	_ =	shalt  }
0x48: {  	_ =	shalt  }
0x49: {  	_ =	shalt  }
0x4a: {  	_ =	shalt  }
0x4b: {  	_ =	shalt  }
0x4c: {  	_ =	shalt  }
0x4d: {  	_ =	shalt  }
0x4e: {  	_ =	shalt  }
0x4f: {  	_ =	shalt  }
0x50: {  	_ =	shalt  }
0x51: {  	_ =	shalt  }
0x52: {  	_ =	shalt  }
0x53: {  	_ =	shalt  }
0x54: {  	_ =	shalt  }
0x55: {  	_ =	shalt  }
0x56: {  	_ =	shalt  }
0x57: {  	_ =	shalt  }
0x58: {  	_ =	shalt  }
0x59: {  	_ =	shalt  }
0x5a: {  	_ =	shalt  }
0x5b: {  	_ =	shalt  }
0x5c: {  	_ =	shalt  }
0x5d: {  	_ =	shalt  }
0x5e: {  	_ =	shalt  }
0x5f: {  	_ =	shalt  }
0x60: {  	_ =	shalt  }
0x61: {  	_ =	shalt  }
0x62: {  	_ =	shalt  }
0x63: {  	_ =	shalt  }
0x64: {  	_ =	shalt  }
0x65: {  	_ =	shalt  }
0x66: {  	_ =	shalt  }
0x67: {  	_ =	shalt  }
0x68: {  	_ =	shalt  }
0x69: {  	_ =	shalt  }
0x6a: {  	_ =	shalt  }
0x6b: {  	_ =	shalt  }
0x6c: {  	_ =	shalt  }
0x6d: {  	_ =	shalt  }
0x6e: {  	_ =	shalt  }
0x6f: {  	_ =	shalt  }
0x70: {  	_ =	shalt  }
0x71: {  	_ =	shalt  }
0x72: {  	_ =	shalt  }
0x73: {  	_ =	shalt  }
0x74: {  	_ =	shalt  }
0x75: {  	_ =	shalt  }
0x76: {  	_ =	shalt  }
0x77: {  	_ =	shalt  }
0x78: {  	_ =	shalt  }
0x79: {  	_ =	shalt  }
0x7a: {  	_ =	shalt  }
0x7b: {  	_ =	shalt  }
0x7c: {  	_ =	shalt  }
0x7d: {  	_ =	shalt  }
0x7e: {  	_ =	shalt  }
0x7f: {  	_ =	shalt  }
0x80: {  	_ =	shalt  }
0x81: {  	_ =	shalt  }
0x82: {  	_ =	shalt  }
0x83: {  	_ =	shalt  }
0x84: {  	_ =	shalt  }
0x85: {  	_ =	shalt  }
0x86: {  	_ =	shalt  }
0x87: {  	_ =	shalt  }
.Lfunc_end0:
.L_simem_size_0:
called_computation_lowered:
.L_overlay_start_0:
0x88: {  	s2 =	sld [smem:$0x3FD9]  }
0x89: {  	s3 =	sld [smem:$0x3FFE];
	_ =	sdelay $0x1  }
0x8a: {  	s1 =	srdreg.scid  }
0x8b: {  	s0 =	sand.u32 $0x1, s1  }
0x8c: {  	s14 =	sshll.u32 s0, $0xA;
	s2 =	sadd.s32 s3, s2  }
0x8d: {  	s2 =	sadd.s32 s2, s14  }
0x8e: {  	[smem:$0x3FC6] =	sst s2  }
0x8f: {  	_ = 	snop  }
0x90: {  	s2 =	sld [smem:$0x3FD0];
	_ =	sdelay $0x2  }
0x91: {  	s4 =	simm.s32 $0xA;
	s5 =	simm.s32 $0x10;
	s15 =	sld [smem:$0x3FC9]  }
0x92: {  	[smem:s5], [sflag:s4] =	dma.local [hbm:s2], $0x1  }
0x93: {  	_ =	swait.eq [sflag:s4], $0x1  }
0x94: {  	[sflag:s4] =	ssyncset.done $0x0  }
0x95: {  	[sflag:s4] =	ssyncadd.s32 $0xFFFFFFFF  }
0x96: {  	s16 =	sld [smem:$0x10];
	(tm) =	ssettm $0x1  }
0x97: {  	s17 =	sld [smem:$0x3FFB];
	_ =	sdelay $0x3  }
0x98: {  	_ =	strace s17  }
0x99: {  	s4 =	sld [smem:$0x3FFC];
	_ =	sdelay $0x3  }
0x9a: {  	_ =	strace s4  }
0x9b: {  	s4 =	sld [smem:$0x3FFD];
	_ =	sdelay $0x3  }
0x9c: {  	_ =	strace s4  }
0x9d: {  	_ =	strace $0x8FFFFFFF  }
0x9e: {  	s18 =	sld [smem:$0x3FDB];
	_ =	sdelay $0x1  }
0x9f: {  	s19 =	simm.s32 $_scs_section_size  }
0xa0: {  	s6 =	simm.s32 $_size__tile_overlayer_lowered;
	s7 =	simm.s32 $_tile_overlayer_lowered  }
0xa1: {  	s22 =	simm.s32 $0x1BFF;
	s21 =	sshll.u32 s7, $0x1;
	s4 =	sadd.s32 s19, s18  }
0xa2: {  	s8 =	simm.s32 $0x0;
	s20 =	sshll.u32 s6, $0x1;
	s6 =	sadd.s32 s21, s4  }
0xa3: {  	[timem:s8], [sflag:s22] =	dma.local [hbm:s6], s20  }
0xa4: {  	_ =	swait.ge [sflag:s22], s20  }
0xa5: {  	s5 =	ssub.s32 $0x0, s20;
	[sflag:s22] =	ssyncset.done $0x0  }
0xa6: {  	[sflag:s22] =	ssyncadd.s32 s5;
	_ =	sdelay $0x1  }
0xa7: {  	s23 =	simm.s32 $0x1B8B  }
0xa8: {  	_ =	swait.ge [sflag:s23], $0x1  }
0xa9: {  	[sflag:s23] =	ssyncset.done $0x0  }
0xaa: {  	s25 =	simm.s32 $0x1B8E;
	s24 =	sld [smem:$0x3FFE];
	[sflag:s23] =	ssyncadd.s32 $0xFFFFFFFF  }
0xab: {  	s26 =	simm.s32 $execute0_lowered;
	[smem:$0x3FD2] =	sst s25  }
0xac: {  	s6 =	sshll.u32 s26, $0x1;
	_ =	strace $0x80000046;
	[dreg:$0x1] =	wrdreg $0xFFFFFFFF  }
0xad: {  	s28 =	simm.s32 $_size_execute0_lowered;
	s4 =	sadd.s32 s4, s6;
	[dreg:$0x0] =	wrdreg $0x0  }
0xae: {  	s6 =	sshll.u32 s28, $0x1;
	[dreg:$0x2] =	wrdreg s4  }
0xaf: {  	[dreg:$0x3] =	wrdreg s6  }
0xb0: {  	[dreg:$0x4] =	wrdreg $0xC0  }
0xb1: {  	_ =	task [dreg:s8], $0x5FFFF  }
0xb2: {  	[dreg:$0x1] =	wrdreg $0xFFFFFFFF  }
0xb3: {  	[dreg:$0x0] =	wrdreg $0x60  }
0xb4: {  	[dreg:$0x2] =	wrdreg s24  }
0xb5: {  	[dreg:$0x3] =	wrdreg s15  }
0xb6: {  	[dreg:$0x4] =	wrdreg s16  }
0xb7: {  	[dreg:$0x5] =	wrdreg $0x9  }
0xb8: {  	_ =	task.clear_ibuf [dreg:s8], $0x6FFFF;
	_ =	strace $0x90000046  }
0xb9: {  	s29 =	simm.s32 $0x9;
	_ =	strace $0x80000048  }
0xba: {  	_ =	swait.ge [sflag:s29], $0x1  }
0xbb: {  	[sflag:s29] =	ssyncadd.s32 $0xFFFFFFFF  }
0xbc: {  	_ =	strace $0x90000048  }
0xbd: {  	_ =	sfence  }
0xbe: {  	s30 =	sld [smem:$0x0];
	_ =	sdelay $0x2  }
0xbf: {  	s31 =	sshll.u32 s1, $0xD;
	s1 =	sshrl.u32 s1, $0x2  }
0xc0: {  	s3 =	sand.u32 $0x4000, s31;
	s1 =	sadd.s32 s1, s30  }
0xc1: {  	s0 =	sor.u32 s3, s0;
	s1 =	sshll.u32 s1, $0x11  }
0xc2: {  	s0 =	sor.u32 s1, s0  }
0xc3: {  	s0 =	sadd.s32 $0x8F2B, s0  }
0xc4: {  	[sflag:s0] =	ssyncadd.remote.s32 $0x1  }
0xc5: {  	_ =	sfence.sel $0xFFFF  }
0xc6: {  	[dreg:$0x0] =	wrdreg $0xFFFFFFFF;
	(pc) =	sbr.abs _section_cstart, $3  }
0xc7: {  	[dreg:$0x1] =	wrdreg $0xFFFFFFFF  }
0xc8: {  	_ =	task.clear_ibuf [dreg:s8], $0x2FFFF;
	_ =	strace $0x9FFFFFFF  }
0xc9: {  	(tm) =	ssettm $0x7FFFFFFF  }
tec
execute0_lowered:
.L_overlay_start_1:
0x0: {  	(tag) =	ssettag $0x1  }
0x1: {  	s2 =	srdreg.scid;
	s0 =	stileid.u32  }
0x2: {  	s6 =	sand.u32 $0x1, s2;
	s7 =	sshll.u32 s0, $0x1  }
0x3: {  	s7 =	sor.u32 s6, s7  }
0x4: {  	p0 =	sgt.u32 s7, $0x18  }
.Ltmp0:
0x5: {  	s1 =	rddreg [dreg:$0x0];
	(pc) =	sbr.rel @p0 .LBB2_9-.Ltmp0, $4  }
0x6: {  	s3 =	rddreg [dreg:$0x1]  }
0x7: {  	s4 =	rddreg [dreg:$0x2];
	s5 =	simm.s32 $0x0  }
0x8: {  	[smem:$0x7FF] =	sst s5  }
0x9: {  	s2 =	rddreg [dreg:$0x3];
	_ =	strace $0x80000047  }
0xa: {  	s6 =	ssub.s32 $0x2, s6  }
0xb: {  	s7 =	smul.u32 $0x7D0, s7;
	s9 =	simm.s32 $0x2;
	s10 =	simm.s32 $0x200  }
0xc: {  	s11 =	simm.s32 $0x190;
	s12 =	simm.s32 $0x400;
	s8 =	sshrl.u32 s6, $0x1  }
0xd: {  	s13 =	simm.s32 $0x1;
	s14 =	simm.s32 $0x0;
	s8 =	ssub.s32 s6, s8  }
0xe: {  	s15 =	simm.s32 $0x0;
	s6 =	sadd.s32 $0x1A00, s1;
	s8 =	smax.u32 s8, $0x1  }
.LBB2_2:
0xf: {  	s16 =	simm.s32 $0x0  }
.LBB2_3:
0x10: {  	s17 =	smul.u32 $0x190, s16;
	_ =	sdelay $0x1  }
0x11: {  	s17 =	sadd.s32 s7, s17  }
0x12: {  	s18 =	sshrl.u32 s17, $0x3  }
0x13: {  	s19 =	sadd.s32 s6, s18  }
0x14: {  	[tilespmem:s15], [sflag:$0x2] =	stream.linear.gather [hbm4b:s19+s15], $0x190, $0x38;
	[tilespmem:$0xCC00] =	vst v63  }
0x15: {  	_ =	swait.ge [sflag:s9], $0x190  }
0x16: {  	[sflag:s9] =	ssyncset.done $0x0  }
0x17: {  	s18 =	sadd.s32 s1, s18;
	[sflag:s9] =	ssyncadd.s32 $0xFFFFFE70  }
0x18: {  	[tilespmem:s10], [sflag:$0x2] =	stream.linear.gather [hbm4b:s18+s15], $0x190, $0x38;
	[tilespmem:$0xCC00] =	vst v63  }
0x19: {  	_ =	swait.ge [sflag:s9], $0x190  }
0x1a: {  	[sflag:s9] =	ssyncset.done $0x0  }
0x1b: {  	s19 =	simm.s32 $0x40;
	s18 =	simm.s32 $0x0;
	[sflag:s9] =	ssyncadd.s32 $0xFFFFFE70  }
.LBB2_4:
0x1c: {  	p0 =	sne.s32 s19, $0x600;
	v0 =	vld [tilespmem:s18+$0x0];
	_ =	sdelay $0x3  }
.Ltmp1:
0x1d: {  	(pc) =	sbr.rel @p0 .LBB2_4-.Ltmp1, $4  }
0x1e: {  	vm0 =	vgt.s32 v0, $0x0  }
0x1f: {  	v0 =	vnsel vm0, $0x0, v0  }
0x20: {  	v0 =	vmin.u32 v0, $0x1869F  }
0x21: {  	[tilespmem:s18+$0x0] =	vst v0;
	s18 =	sshra.s32 s19, $0x2;
	s19 =	sadd.s32 $0x40, s19  }
0x22: {  	v0 =	vld [tilespmem:s18+$0x0];
	_ =	sdelay $0x4  }
0x23: {  	vm0 =	vgt.s32 v0, $0x0  }
0x24: {  	v0 =	vnsel vm0, $0x0, v0  }
0x25: {  	v0 =	vmin.u32 v0, $0x1869F  }
0x26: {  	s31 =	simm.s32 $0x0;
	[tilespmem:s18+$0x0] =	vst v0  }
0x27: {  	[tilespmem:s12], [sflag:$0x1] =	stream.indirect.gather [hbm4b:s3+s11], $0x80, s31, s11, $0xb8;
	[tilespmem:$0xCC00] =	vst v63  }
0x28: {  	v0 =	vmov s31;
	_ =	swait.ge [sflag:s13], $0xC800  }
0x29: {  	[sflag:s13] =	ssyncset.done $0x0  }
0x2a: {  	s18 =	simm.s32 $0x440;
	[sflag:s13] =	ssyncadd.s32 $0xFFFF3800  }
0x2b: {  	v4 =	vld [tilespmem:s18+$0x30]  }
0x2c: {  	v7 =	vld [tilespmem:s18+$0x10]  }
0x2d: {  	v1 =	vld.idx.msk [tilespmem:v0+s10+$0x0], $0xffff  }
0x2e: {  	v5 =	vld [tilespmem:s18+$0xFFFFFFC0]  }
0x2f: {  	v9 =	vld [tilespmem:s18+$0xFFFFFFE0]  }
0x30: {  	v0 =	vld [tilespmem:s18+$0xFFFFFFF0]  }
0x31: {  	v2 =	vld [tilespmem:s18+$0x20]  }
0x32: {  	v3 =	vld [tilespmem:s18+$0xFFFFFFD0];
	v1 =	vsub.s32 $0x3FFFFFFF, v1  }
0x33: {  	v8 =	vmul.f32 v1, v4;
	v4 =	vld [tilespmem:s18+$0x0]  }
0x34: {  	v6 =	vmul.f32 v1, v5  }
0x35: {  	s19 =	simm.s32 $0x1;
	s20 =	simm.s32 $0x440;
	v5 =	vmul.f32 v1, v9;
	v7 =	vmul.f32 v1, v7  }
.LBB2_6:
0x36: {  	p0 =	sne.s32 s19, $0x18F  }
0x37: {  	v3 =	vmul.f32 v1, v3;
	v2 =	vmul.f32 v1, v2;
	[tilespmem:s18+$0x30] =	vst v8;
	s20 =	sadd.s32 $0x80, s20;
	s21 =	smov.u32 s19;
	s19 =	sadd.s32 $0x1, s19  }
0x38: {  	v0 =	vmul.f32 v1, v0;
	[tilespmem:s18+$0xFFFFFFC0] =	vst v6;
	v1 =	vmul.f32 v1, v4  }
0x39: {  	[tilespmem:s18+$0x10] =	vst v7  }
0x3a: {  	v4 =	vmov s21;
	[tilespmem:s18+$0xFFFFFFE0] =	vst v5  }
0x3b: {  	[tilespmem:s18+$0xFFFFFFF0] =	vst v0  }
0x3c: {  	v0 =	vld [tilespmem:s20+$0xFFFFFFF0];
	[tilespmem:s18+$0x0] =	vst v1  }
0x3d: {  	v5 =	vld [tilespmem:s20+$0x30];
	[tilespmem:s18+$0x20] =	vst v2  }
0x3e: {  	v7 =	vld [tilespmem:s20+$0x10];
	[tilespmem:s18+$0xFFFFFFD0] =	vst v3;
	s18 =	smov.u32 s20  }
0x3f: {  	v1 =	vld.idx.msk [tilespmem:v4+s10+$0x0], $0xffff  }
0x40: {  	v6 =	vld [tilespmem:s20+$0xFFFFFFC0]  }
0x41: {  	v9 =	vld [tilespmem:s20+$0xFFFFFFE0]  }
0x42: {  	v2 =	vld [tilespmem:s20+$0x20]  }
.Ltmp2:
0x43: {  	v3 =	vld [tilespmem:s20+$0xFFFFFFD0];
	(pc) =	sbr.rel @p0 .LBB2_6-.Ltmp2, $4  }
0x44: {  	v4 =	vld [tilespmem:s20+$0x0]  }
0x45: {  	v1 =	vsub.s32 $0x3FFFFFFF, v1  }
0x46: {  	v6 =	vmul.f32 v1, v6;
	v8 =	vmul.f32 v1, v5  }
0x47: {  	v7 =	vmul.f32 v1, v7;
	v5 =	vmul.f32 v1, v9  }
0x48: {  	[tilespmem:s18+$0x30] =	vst v8  }
0x49: {  	[tilespmem:s18+$0xFFFFFFC0] =	vst v6  }
0x4a: {  	v0 =	vmul.f32 v1, v0;
	[tilespmem:s18+$0x10] =	vst v7  }
0x4b: {  	v2 =	vmul.f32 v1, v2;
	[tilespmem:s18+$0xFFFFFFE0] =	vst v5  }
0x4c: {  	v63 =	vmul.f32 v1, v3;
	[tilespmem:s18+$0xFFFFFFF0] =	vst v0  }
0x4d: {  	s16 =	sadd.s32 $0x1, s16;
	v4 =	vmul.f32 v1, v4;
	[tilespmem:s18+$0x20] =	vst v2  }
0x4e: {  	s17 =	sshll.u32 s17, $0x4;
	p0 =	sne.s32 s16, $0x5;
	[tilespmem:s18+$0xFFFFFFD0] =	vst v63  }
.Ltmp3:
0x4f: {  	s17 =	sadd.s32 s4, s17;
	[tilespmem:s18+$0x0] =	vst v4;
	(pc) =	sbr.rel @p0 .LBB2_3-.Ltmp3, $4  }
0x50: {  	[hbm4b:s17+s5] =	stream.linear.scatter [tilespmem:s12], [sflag:$0x2], $0xC800, $0x38;
	[tilespmem:$0xCC00] =	vst v63  }
0x51: {  	_ =	swait.ge [sflag:s9], $0xC800  }
0x52: {  	[sflag:s9] =	ssyncset.done $0x0  }
0x53: {  	[sflag:s9] =	ssyncadd.s32 $0xFFFF3800  }
0x54: {  	s14 =	sadd.s32 $0x1, s14  }
0x55: {  	p0 =	sne.s32 s14, s8  }
.Ltmp4:
0x56: {  	_ = 	snop;
	(pc) =	sbr.rel @p0 .LBB2_2-.Ltmp4, $1  }
0x57: {  	_ =	sdelay $0x3  }
.LBB2_9:
0x58: {  	_ =	sfence.sel $0x180000  }
0x59: {  	[bflag:$0x0] =	sbarrier.arrive $0xFFFF  }
0x5a: {  	p0 =	sne.s32 s0, $0x0;
	_ =	strace $0x90000047  }
0x5b: {  	s0 =	sadd.s32 @!p0 $0x100000, s2;
	[bflag:$0x2] =	sbarrier.arrive $0xFFFF  }
0x5c: {  	[sflag:s0] =	ssyncadd.tile.s32 @!p0 $0x1;
	_ =	shalt  }
.Lfunc_end2:
_tile_overlayer_lowered:
.L_overlay_start_2:
0x5d: {  	(tag) =	ssettag $0x2  }
0x5e: {  	s0 =	rddreg [dreg:$0x0];
	s2 =	stileid.u32  }
0x5f: {  	s1 =	rddreg [dreg:$0x1];
	p0 =	sne.s32 s2, $0x0  }
0x60: {  	s3 =	rddreg [dreg:$0x2];
	[bflag:$0x3] =	sbarrier.arrive $0xFFFF;
	s2 =	simm.s32 @!p0 $0x1C02  }
0x61: {  	[timem:s3], [sflag:s2] =	dma.local @!p0 [hbm:s0], s1  }
0x62: {  	s0 =	simm.s32 @!p0 $0x2  }
0x63: {  	_ =	swait.ge @!p0 [sflag:s0], s1  }
0x64: {  	s1 =	ssub.s32 @!p0 $0x0, s1;
	[sflag:s0] =	ssyncset.done @!p0 $0x0  }
0x65: {  	[sflag:s0] =	ssyncadd.s32 @!p0 s1  }
0x66: {  	[bflag:$0x3] =	sbarrier.arrive $0xFFFF  }
0x67: {  	_ =	shalt  }

</sc_bundles>
